<compile_context>
chip_gen: v7x
topology: tpu7x:2x2x1
jax: 0.10.2.dev20260603
libtpu: 0.0.44.dev20260713+nightly
codegen_flags: <defaults>
</compile_context>

<pallas_src>
import functools
import jax, jax.numpy as jnp
from jax import lax
from jax.experimental import pallas as pl
from jax.experimental.pallas import tpu as pltpu
from jax.experimental.pallas import tpu_sc as plsc

CHUNK = 128
mesh = plsc.VectorSubcoreMesh(core_axis_name="c", subcore_axis_name="s")

@functools.partial(
    pl.kernel, mesh=mesh,
    out_type=jax.ShapeDtypeStruct((2 * 352256,), jnp.float32),
    scratch_types=[pltpu.VMEM((2, 128), jnp.int32),
                   pltpu.VMEM((4, 16), jnp.float32),
                   pltpu.VMEM_SHARED((10000, 32), jnp.float32),
                   pltpu.VMEM_SHARED((10000, 32), jnp.float32),
                   pltpu.VMEM((80, 128), jnp.int32),
                   pltpu.VMEM((80, 128), jnp.int32),
                   pltpu.VMEM((2, 128, 32), jnp.float32),
                   pltpu.VMEM((2, 128, 32), jnp.float32),
                   pltpu.VMEM((2, 128, 16), jnp.float32),
                   pltpu.VMEM((2, 256), jnp.float32),
                   pltpu.SemaphoreType.DMA((2,)),
                   pltpu.SemaphoreType.DMA((2,)),
                   pltpu.SemaphoreType.DMA((2,))],
    compiler_params=pltpu.CompilerParams(use_tc_tiling_on_sc=False,
                                         needs_layout_passes=False),
)
def _sck(t0, t1, i0of, i1of, i0nb, i1nb, wh, o_hbm, buf, wv, sh0, sh1, x0, x1, r0, r1, sb, ob, g0, g1, ws):
    wid = lax.axis_index("s") * 2 + lax.axis_index("c")
    @pl.when(wid == 0)
    def _():
        pltpu.sync_copy(i0nb.at[pl.ds(0, 2)], buf)
    pltpu.sync_copy(wh, wv)
    pltpu.sync_copy(wh, wv)

def _pad_idx(idx, ppad):
    p = idx.shape[0]
    if p != ppad:
        idx = jnp.concatenate([idx, jnp.zeros((ppad - p,), jnp.int32)])
    return idx.reshape(ppad // CHUNK, CHUNK)

def kernel(h, idx0_onefour, idx1_onefour, idx0_nonbonded, idx1_nonbonded,
           W1_of, b1_of, Wsig_of, bsig_of, Weps_of, beps_of,
           W1_nb, b1_nb, Wsig_nb, bsig_nb, Weps_nb, beps_nb):
    t = (h[:, :32] * 2.0)
    wh = jnp.stack([Wsig_of[:, 0], Weps_of[:, 0], bsig_of.repeat(16),
                    beps_of.repeat(16)])
    o = _sck(t, t * 3.0,
             _pad_idx(idx0_onefour, 32768), _pad_idx(idx1_onefour, 32768),
             _pad_idx(idx0_nonbonded, 327680), _pad_idx(idx1_nonbonded, 327680),
             wh)
    a = o[0]
    return (jnp.zeros((20000, 2), jnp.float32) + a,
            jnp.zeros((320000, 2), jnp.float32) + a)

# --- scband reference (transcript-rebuilt; emitter-appended) ---
"""Pipeline reference for scband-janossy-pooling-nonbonded-1408749273398 (READ-ONLY COPY).

The authoritative reference and input builder live on the scoring server;
editing this copy changes nothing except your own understanding.
"""

import jax, jax.numpy as jnp
import numpy as np

N = 10000
D = 128
H = 16
P_NB = 320000
P_OF = 20000


def _mlp(x, W1, b1):
    # esp.nn.sequential._Sequential with config=[16, 'relu']: Linear(2*D, 16) -> ReLU
    return jax.nn.relu(x @ W1 + b1)


def _level(h, i0, i1, W1, b1, Wsig, bsig, Weps, beps):
    # DGL multi_update_all: copy_u('h') + mean per relationship. Each pair node has
    # exactly one incoming edge per relationship, so mean == gather.
    h0 = jnp.take(h, i0, axis=0)
    h1 = jnp.take(h, i1, axis=0)
    # Janossy pooling: sum over the two permutations of the pair
    s = _mlp(jnp.concatenate([h0, h1], axis=1), W1, b1) + _mlp(jnp.concatenate([h1, h0], axis=1), W1, b1)
    sigma = s @ Wsig + bsig
    epsilon = s @ Weps + beps
    return jnp.concatenate([sigma, epsilon], axis=1)


def setup_inputs(seed: int = 0):
    key = jax.random.key(seed)
    ks = [jax.random.fold_in(key, i) for i in range(16)]
    inp = {}
    inp["h"] = jax.random.normal(ks[0], (N, D), dtype=jnp.float32)
    inp["idx0_onefour"] = jax.random.randint(ks[1], (P_OF,), 0, N, dtype=jnp.int32)
    inp["idx1_onefour"] = jax.random.randint(ks[2], (P_OF,), 0, N, dtype=jnp.int32)
    inp["idx0_nonbonded"] = jax.random.randint(ks[3], (P_NB,), 0, N, dtype=jnp.int32)
    inp["idx1_nonbonded"] = jax.random.randint(ks[4], (P_NB,), 0, N, dtype=jnp.int32)
    i = 5
    for lvl in ["of", "nb"]:
        inp["W1_" + lvl] = jax.random.normal(ks[i], (2 * D, H), dtype=jnp.float32) * 0.05; i += 1
        inp["b1_" + lvl] = jnp.zeros((H,), dtype=jnp.float32)
        inp["Wsig_" + lvl] = jax.random.normal(ks[i], (H, 1), dtype=jnp.float32) * 0.05; i += 1
        inp["bsig_" + lvl] = jnp.zeros((1,), dtype=jnp.float32)
        inp["Weps_" + lvl] = jax.random.normal(ks[i], (H, 1), dtype=jnp.float32) * 0.05; i += 1
        inp["beps_" + lvl] = jnp.zeros((1,), dtype=jnp.float32)
    return inp


def reference(h, idx0_onefour, idx1_onefour, idx0_nonbonded, idx1_nonbonded,
              W1_of, b1_of, Wsig_of, bsig_of, Weps_of, beps_of,
              W1_nb, b1_nb, Wsig_nb, bsig_nb, Weps_nb, beps_nb):
    out_onefour = _level(h, idx0_onefour, idx1_onefour, W1_of, b1_of, Wsig_of, bsig_of, Weps_of, beps_of)
    out_nonbonded = _level(h, idx0_nonbonded, idx1_nonbonded, W1_nb, b1_nb, Wsig_nb, bsig_nb, Weps_nb, beps_nb)
    # columns: [sigma, epsilon] per pair node, for each level
    return (out_onefour, out_nonbonded)

if __name__ == "__main__":
    import jax
    _d = setup_inputs()
    print(jax.jit(kernel)(*tuple(_d.values())))

</pallas_src>

<mosaic_0001>
#map = affine_map<(d0, d1) -> (0, 0)>
#map1 = affine_map<(d0, d1) -> (0)>
module attributes {stable_mosaic.version = 14 : i64} {
  func.func @_sck(%arg0: i32, %arg1: i32, %arg2: memref<10000x32xf32, #tpu.memory_space<hbm>>, %arg3: memref<10000x32xf32, #tpu.memory_space<hbm>>, %arg4: memref<256x128xi32, #tpu.memory_space<hbm>>, %arg5: memref<256x128xi32, #tpu.memory_space<hbm>>, %arg6: memref<2560x128xi32, #tpu.memory_space<hbm>>, %arg7: memref<2560x128xi32, #tpu.memory_space<hbm>>, %arg8: memref<4x16xf32, #tpu.memory_space<hbm>>, %arg9: memref<704512xf32, #tpu.memory_space<hbm>>, %arg10: memref<2x128xi32, #tpu.memory_space<vmem>>, %arg11: memref<4x16xf32, #tpu.memory_space<vmem>>, %arg12: memref<10000x32xf32, #tpu.memory_space<vmem_shared>>, %arg13: memref<10000x32xf32, #tpu.memory_space<vmem_shared>>, %arg14: memref<80x128xi32, #tpu.memory_space<vmem>>, %arg15: memref<80x128xi32, #tpu.memory_space<vmem>>, %arg16: memref<2x128x32xf32, #tpu.memory_space<vmem>>, %arg17: memref<2x128x32xf32, #tpu.memory_space<vmem>>, %arg18: memref<2x128x16xf32, #tpu.memory_space<vmem>>, %arg19: memref<2x256xf32, #tpu.memory_space<vmem>>, %arg20: memref<2x!tpu.dma_semaphore, #tpu.memory_space<semaphore_mem>>, %arg21: memref<2x!tpu.dma_semaphore, #tpu.memory_space<semaphore_mem>>, %arg22: memref<2x!tpu.dma_semaphore, #tpu.memory_space<semaphore_mem>>) attributes {dimension_semantics = [#tpu.dimension_semantics<core_parallel>, #tpu.dimension_semantics<subcore_parallel>], iteration_bounds = array<i64: 2, 16>, scalar_prefetch = 0 : i64, scratch_operands = 13 : i64, tpu.core_type = #tpu.core_type<sc_vector_subcore>, window_params = [{transform_indices = #map}, {transform_indices = #map}, {transform_indices = #map}, {transform_indices = #map}, {transform_indices = #map}, {transform_indices = #map}, {transform_indices = #map}, {transform_indices = #map1}]} {
    %mul3A = arith.constant 2 : i32
    %mul3A_0 = arith.muli %arg1, %mul3A : i32
    %add3A = arith.addi %mul3A_0, %arg0 : i32
    %eq3A = arith.constant 0 : i32
    %eq3A_1 = arith.cmpi eq, %add3A, %eq3A : i32
    %convert_element_type3A = arith.extui %eq3A_1 : i1 to i32
    %cond3A = arith.constant 0 : i32
    %cond3A_2 = arith.cmpi ne, %convert_element_type3A, %cond3A : i32
    scf.if %cond3A_2 {
      "tpu.region"() ({
        %run_scoped3A = tpu.sem_alloc : memref<!tpu.dma_semaphore, #tpu.memory_space<semaphore_mem>>
        %dma_start3A = arith.constant 0 : i32
        %dma_start3A_3 = arith.constant 0 : i32
        %dma_start3A_4 = tpu.memref_slice %arg6[%dma_start3A, %dma_start3A_3] : memref<2560x128xi32, #tpu.memory_space<hbm>> -> memref<2x128xi32, #tpu.memory_space<hbm>>
        %dma_start3A_5 = arith.constant 0 : i32
        %dma_start3A_6 = arith.constant 0 : i32
        %dma_start3A_7 = tpu.memref_slice %arg6[%dma_start3A_5, %dma_start3A_6] : memref<2560x128xi32, #tpu.memory_space<hbm>> -> memref<2x128xi32, #tpu.memory_space<hbm>>
        tpu.enqueue_dma source(%dma_start3A_7 : memref<2x128xi32, #tpu.memory_space<hbm>>) target(%arg10 : memref<2x128xi32, #tpu.memory_space<vmem>>) target_semaphore(%run_scoped3A : memref<!tpu.dma_semaphore, #tpu.memory_space<semaphore_mem>>)
        %dma_wait3A = arith.constant 0 : i32
        %dma_wait3A_8 = arith.constant 0 : i32
        %dma_wait3A_9 = tpu.memref_slice %arg6[%dma_wait3A, %dma_wait3A_8] : memref<2560x128xi32, #tpu.memory_space<hbm>> -> memref<2x128xi32, #tpu.memory_space<hbm>>
        %dma_wait3A_10 = arith.constant 0 : i32
        %dma_wait3A_11 = arith.constant 0 : i32
        %dma_wait3A_12 = tpu.memref_slice %arg6[%dma_wait3A_10, %dma_wait3A_11] : memref<2560x128xi32, #tpu.memory_space<hbm>> -> memref<2x128xi32, #tpu.memory_space<hbm>>
        tpu.wait_dma2 semaphore(%run_scoped3A : memref<!tpu.dma_semaphore, #tpu.memory_space<semaphore_mem>>) src(%dma_wait3A_12 : memref<2x128xi32, #tpu.memory_space<hbm>>) dst(%arg10 : memref<2x128xi32, #tpu.memory_space<vmem>>)
        tpu.yield
      }) : () -> ()
    } else {
    }
    "tpu.region"() ({
      %run_scoped3A = tpu.sem_alloc : memref<!tpu.dma_semaphore, #tpu.memory_space<semaphore_mem>>
      tpu.enqueue_dma source(%arg8 : memref<4x16xf32, #tpu.memory_space<hbm>>) target(%arg11 : memref<4x16xf32, #tpu.memory_space<vmem>>) target_semaphore(%run_scoped3A : memref<!tpu.dma_semaphore, #tpu.memory_space<semaphore_mem>>)
      tpu.wait_dma2 semaphore(%run_scoped3A : memref<!tpu.dma_semaphore, #tpu.memory_space<semaphore_mem>>) src(%arg8 : memref<4x16xf32, #tpu.memory_space<hbm>>) dst(%arg11 : memref<4x16xf32, #tpu.memory_space<vmem>>)
      tpu.yield
    }) : () -> ()
    "tpu.region"() ({
      %run_scoped3A = tpu.sem_alloc : memref<!tpu.dma_semaphore, #tpu.memory_space<semaphore_mem>>
      tpu.enqueue_dma source(%arg8 : memref<4x16xf32, #tpu.memory_space<hbm>>) target(%arg11 : memref<4x16xf32, #tpu.memory_space<vmem>>) target_semaphore(%run_scoped3A : memref<!tpu.dma_semaphore, #tpu.memory_space<semaphore_mem>>)
      tpu.wait_dma2 semaphore(%run_scoped3A : memref<!tpu.dma_semaphore, #tpu.memory_space<semaphore_mem>>) src(%arg8 : memref<4x16xf32, #tpu.memory_space<hbm>>) dst(%arg11 : memref<4x16xf32, #tpu.memory_space<vmem>>)
      tpu.yield
    }) : () -> ()
    return
  }
}

</mosaic_0001>

<sc_bundles>
// kernel: kernel.3.cloned.1.call-start
scs
__scs_entry_jumppad:
0x0: {  	(pc) =	sbr.rel $0x88, $3  }
0x1: {  	(tag) =	ssettag $0x0;
	lr =	simm.s32 $0x1  }
0x2: {  	[smem:$0x3F98] =	sst lr;
	_ =	strace $0xD0000000  }
0x3: {  	_ = 	snop  }
0x4: {  	_ = 	snop  }
0x5: {  	_ = 	snop  }
0x6: {  	_ = 	snop  }
0x7: {  	_ = 	snop  }
__scs_overlays_trampoline_lowered:
0x8: {  	[smem:$0x3FA7] =	sst s0  }
0x9: {  	[smem:$0x3FA8] =	sst s1  }
0xa: {  	[smem:$0x3FA9] =	sst s2  }
0xb: {  	[smem:$0x3FAA] =	sst s3  }
0xc: {  	[smem:$0x3FAB] =	sst s4  }
0xd: {  	[smem:$0x3FAC] =	sst s5  }
0xe: {  	[smem:$0x3FAD] =	sst s6  }
0xf: {  	[smem:$0x3FAE] =	sst s7  }
0x10: {  	[smem:$0x3FAF] =	sst s8  }
0x11: {  	[smem:$0x3FB0] =	sst s9;
	s0 =	simm.s32 @!p0 $0x0  }
0x12: {  	s1 =	sld [smem:$0x3F96];
	s0 =	simm.s32 @p0 $0x1  }
0x13: {  	[smem:$0x3FB1] =	sst s0;
	s0 =	simm.s32 @!p1 $0x0  }
0x14: {  	s2 =	sld [smem:$0x3F95];
	s0 =	simm.s32 @p1 $0x1  }
0x15: {  	[smem:$0x3FB2] =	sst s0;
	s0 =	simm.s32 @!p2 $0x0  }
0x16: {  	s3 =	sld [smem:$0x3FDB];
	s0 =	simm.s32 @p2 $0x1  }
0x17: {  	s4 =	simm.s32 $0x1BF5;
	[smem:$0x3FB4] =	sst s0  }
0x18: {  	s0 =	sld [smem:$0x3F97];
	_ =	swait.ge [sflag:s4], $0x0  }
0x19: {  	s7 =	sld [smem:$0x3F98]  }
0x1a: {  	s8 =	sadd.s32 $0xFFFFE003, lr  }
0x1b: {  	s9 =	sadd.s32 $0xFFFFFEF7, lr;
	s5 =	simm.s32 $0xFFFFFFFF;
	p2 =	slt.u32 s8, $0xFFFFF086  }
0x1c: {  	p1 =	slt.u32 s9, $0xF7A;
	s5 =	simm.s32 @!p2 $0x0  }
0x1d: {  	s5 =	simm.s32 @p1 $0x1;
	p0 =	seq.s32 s7, s2  }
0x1e: {  	s7 =	smul.u32 @!p0 $0xF7A, s2;
	p2 =	seq.s32 @!p0 s5, $0x0  }
0x1f: {  	s9 =	smul.u32 $0xF7A, s1;
	s8 =	simm.s32 @!p0 $0x1BF5;
	p2 =	por !p2, p0  }
0x20: {  	[sflag:s8] =	ssyncset.s32 @!p0 $0xFFFFF086;
	s6 =	sadd.s32 @!p0 s3, s7;
	s7 =	simm.s32 @!p0 $0x108  }
0x21: {  	s3 =	sadd.s32 s3, s9;
	s6 =	sadd.s32 @!p0 $0x88, s6;
	s7 =	simm.s32 @p2 $0x1082  }
0x22: {  	[simem:s7], [sflag:s8] =	dma.local @!p0 [hbm:s6], $0xF7A  }
0x23: {  	s9 =	sor.u32 $0xD0000000, s2;
	s6 =	simm.s32 $0x108;
	_ =	swait.ge @!p0 [sflag:s8], $0x0  }
0x24: {  	s3 =	sadd.s32 $0x88, s3;
	s6 =	simm.s32 @!p1 $0x1082;
	[sflag:s4] =	ssyncset.s32 $0xFFFFF086  }
0x25: {  	[simem:s6], [sflag:s4] =	dma.local [hbm:s3], $0xF7A  }
0x26: {  	[smem:$0x3F98] =	sst s1;
	(tag) =	ssettag s2;
	_ =	strace s9  }
0x27: {  	s1 =	sld [smem:$0x3FA8]  }
0x28: {  	s2 =	sld [smem:$0x3FA9]  }
0x29: {  	s4 =	sld [smem:$0x3FAB]  }
0x2a: {  	p0 =	seq.s32 s5, $0x0;
	s5 =	sld [smem:$0x3FAC]  }
0x2b: {  	s6 =	sld [smem:$0x3FAD]  }
0x2c: {  	s7 =	sld [smem:$0x3FAE]  }
0x2d: {  	s3 =	simm.s32 $0x108;
	s8 =	sld [smem:$0x3FAF]  }
0x2e: {  	s3 =	simm.s32 @!p0 $0x1082;
	s9 =	sld [smem:$0x3FB0]  }
0x2f: {  	lr =	sadd.s32 s0, s3;
	s0 =	sld [smem:$0x3FA7]  }
0x30: {  	s3 =	sld [smem:$0x3FAA]  }
0x31: {  	[smem:$0x3FB3] =	sst s10  }
0x32: {  	s10 =	sld [smem:$0x3FB1];
	_ =	sdelay $0x3  }
0x33: {  	p0 =	seq.s32 s10, $0x1;
	s10 =	sld [smem:$0x3FB3];
	_ =	sdelay $0x3  }
0x34: {  	[smem:$0x3FB3] =	sst s10  }
0x35: {  	s10 =	sld [smem:$0x3FB2];
	_ =	sdelay $0x3  }
0x36: {  	p1 =	seq.s32 s10, $0x1;
	s10 =	sld [smem:$0x3FB3];
	_ =	sdelay $0x3  }
0x37: {  	[smem:$0x3FB3] =	sst s10  }
0x38: {  	s10 =	sld [smem:$0x3FB4]  }
0x39: {  	_ = 	snop;
	(pc) =	sbr.ind lr, $3  }
0x3a: {  	_ = 	snop  }
0x3b: {  	_ = 	snop  }
0x3c: {  	p2 =	seq.s32 s10, $0x1;
	s10 =	sld [smem:$0x3FB3]  }
0x3d: {  	_ =	shalt  }
0x3e: {  	_ =	shalt  }
0x3f: {  	_ =	shalt  }
0x40: {  	_ =	shalt  }
0x41: {  	_ =	shalt  }
0x42: {  	_ =	shalt  }
0x43: {  	_ =	shalt  }
0x44: {  	_ =	shalt  }
0x45: {  	_ =	shalt  }
0x46: {  	_ =	shalt  }
0x47: {  	_ =	shalt  }
0x48: {  	_ =	shalt  }
0x49: {  	_ =	shalt  }
0x4a: {  	_ =	shalt  }
0x4b: {  	_ =	shalt  }
0x4c: {  	_ =	shalt  }
0x4d: {  	_ =	shalt  }
0x4e: {  	_ =	shalt  }
0x4f: {  	_ =	shalt  }
0x50: {  	_ =	shalt  }
0x51: {  	_ =	shalt  }
0x52: {  	_ =	shalt  }
0x53: {  	_ =	shalt  }
0x54: {  	_ =	shalt  }
0x55: {  	_ =	shalt  }
0x56: {  	_ =	shalt  }
0x57: {  	_ =	shalt  }
0x58: {  	_ =	shalt  }
0x59: {  	_ =	shalt  }
0x5a: {  	_ =	shalt  }
0x5b: {  	_ =	shalt  }
0x5c: {  	_ =	shalt  }
0x5d: {  	_ =	shalt  }
0x5e: {  	_ =	shalt  }
0x5f: {  	_ =	shalt  }
0x60: {  	_ =	shalt  }
0x61: {  	_ =	shalt  }
0x62: {  	_ =	shalt  }
0x63: {  	_ =	shalt  }
0x64: {  	_ =	shalt  }
0x65: {  	_ =	shalt  }
0x66: {  	_ =	shalt  }
0x67: {  	_ =	shalt  }
0x68: {  	_ =	shalt  }
0x69: {  	_ =	shalt  }
0x6a: {  	_ =	shalt  }
0x6b: {  	_ =	shalt  }
0x6c: {  	_ =	shalt  }
0x6d: {  	_ =	shalt  }
0x6e: {  	_ =	shalt  }
0x6f: {  	_ =	shalt  }
0x70: {  	_ =	shalt  }
0x71: {  	_ =	shalt  }
0x72: {  	_ =	shalt  }
0x73: {  	_ =	shalt  }
0x74: {  	_ =	shalt  }
0x75: {  	_ =	shalt  }
0x76: {  	_ =	shalt  }
0x77: {  	_ =	shalt  }
0x78: {  	_ =	shalt  }
0x79: {  	_ =	shalt  }
0x7a: {  	_ =	shalt  }
0x7b: {  	_ =	shalt  }
0x7c: {  	_ =	shalt  }
0x7d: {  	_ =	shalt  }
0x7e: {  	_ =	shalt  }
0x7f: {  	_ =	shalt  }
0x80: {  	_ =	shalt  }
0x81: {  	_ =	shalt  }
0x82: {  	_ =	shalt  }
0x83: {  	_ =	shalt  }
0x84: {  	_ =	shalt  }
0x85: {  	_ =	shalt  }
0x86: {  	_ =	shalt  }
0x87: {  	_ =	shalt  }
.Lfunc_end0:
.L_simem_size_0:
called_computation_lowered:
.L_overlay_start_0:
0x88: {  	s2 =	sld [smem:$0x3FD9]  }
0x89: {  	s3 =	sld [smem:$0x3FFE];
	_ =	sdelay $0x1  }
0x8a: {  	s1 =	srdreg.scid  }
0x8b: {  	s0 =	sand.u32 $0x1, s1  }
0x8c: {  	s14 =	sshll.u32 s0, $0xA;
	s2 =	sadd.s32 s3, s2  }
0x8d: {  	s2 =	sadd.s32 s2, s14  }
0x8e: {  	[smem:$0x3FBF] =	sst s2  }
0x8f: {  	_ = 	snop  }
0x90: {  	s2 =	sld [smem:$0x3FD0];
	_ =	sdelay $0x2  }
0x91: {  	s15 =	simm.s32 $0xA;
	s4 =	simm.s32 $0x10  }
0x92: {  	[smem:s4], [sflag:s15] =	dma.local [hbm:s2], $0x1  }
0x93: {  	_ =	swait.eq [sflag:s15], $0x1  }
0x94: {  	[sflag:s15] =	ssyncset.done $0x0  }
0x95: {  	[sflag:s15] =	ssyncadd.s32 $0xFFFFFFFF  }
0x96: {  	s16 =	sld [smem:$0x11];
	(tm) =	ssettm $0x1  }
0x97: {  	s17 =	sld [smem:$0x3FFB];
	_ =	sdelay $0x3  }
0x98: {  	_ =	strace s17  }
0x99: {  	s3 =	sld [smem:$0x3FFC];
	_ =	sdelay $0x3  }
0x9a: {  	_ =	strace s3  }
0x9b: {  	s3 =	sld [smem:$0x3FFD];
	_ =	sdelay $0x3  }
0x9c: {  	_ =	strace s3  }
0x9d: {  	_ =	strace $0x8FFFFFFF  }
0x9e: {  	s18 =	sld [smem:$0x3FDB];
	_ =	sdelay $0x1  }
0x9f: {  	s19 =	simm.s32 $_scs_section_size  }
0xa0: {  	s5 =	simm.s32 $_size__tile_overlayer_lowered;
	s6 =	simm.s32 $_tile_overlayer_lowered  }
0xa1: {  	s22 =	simm.s32 $0x1BFF;
	s21 =	sshll.u32 s6, $0x1;
	s3 =	sadd.s32 s19, s18  }
0xa2: {  	s7 =	simm.s32 $0x0;
	s20 =	sshll.u32 s5, $0x1;
	s5 =	sadd.s32 s21, s3  }
0xa3: {  	[timem:s7], [sflag:s22] =	dma.local [hbm:s5], s20  }
0xa4: {  	_ =	swait.ge [sflag:s22], s20  }
0xa5: {  	s4 =	ssub.s32 $0x0, s20;
	[sflag:s22] =	ssyncset.done $0x0  }
0xa6: {  	[sflag:s22] =	ssyncadd.s32 s4;
	_ =	sdelay $0x1  }
0xa7: {  	s23 =	simm.s32 $0x1B8B  }
0xa8: {  	_ =	swait.ge [sflag:s23], $0x1  }
0xa9: {  	[sflag:s23] =	ssyncset.done $0x0  }
0xaa: {  	s25 =	simm.s32 $0x1B8E;
	s24 =	sld [smem:$0x3FFE];
	[sflag:s23] =	ssyncadd.s32 $0xFFFFFFFF  }
0xab: {  	s26 =	simm.s32 $execute0_lowered;
	[smem:$0x3FD2] =	sst s25  }
0xac: {  	s5 =	sshll.u32 s26, $0x1;
	_ =	strace $0x80000046;
	[dreg:$0x1] =	wrdreg $0xFFFFFFFF  }
0xad: {  	s28 =	simm.s32 $_size_execute0_lowered;
	s3 =	sadd.s32 s3, s5;
	[dreg:$0x0] =	wrdreg $0x0  }
0xae: {  	s5 =	sshll.u32 s28, $0x1;
	[dreg:$0x2] =	wrdreg s3  }
0xaf: {  	[dreg:$0x3] =	wrdreg s5  }
0xb0: {  	[dreg:$0x4] =	wrdreg $0xC0  }
0xb1: {  	_ =	task [dreg:s7], $0x5FFFF  }
0xb2: {  	[dreg:$0x1] =	wrdreg $0xFFFFFFFF  }
0xb3: {  	[dreg:$0x0] =	wrdreg $0x60  }
0xb4: {  	[dreg:$0x2] =	wrdreg s16  }
0xb5: {  	[dreg:$0x3] =	wrdreg s24  }
0xb6: {  	[dreg:$0x4] =	wrdreg $0x9  }
0xb7: {  	_ =	task.clear_ibuf [dreg:s7], $0x5FFFF;
	_ =	strace $0x90000046  }
0xb8: {  	s29 =	simm.s32 $0x9;
	_ =	strace $0x80000048  }
0xb9: {  	_ =	swait.ge [sflag:s29], $0x1  }
0xba: {  	[sflag:s29] =	ssyncadd.s32 $0xFFFFFFFF  }
0xbb: {  	_ =	strace $0x90000048  }
0xbc: {  	_ =	sfence  }
0xbd: {  	s30 =	sld [smem:$0x0];
	_ =	sdelay $0x2  }
0xbe: {  	s31 =	sshll.u32 s1, $0xD;
	s1 =	sshrl.u32 s1, $0x2  }
0xbf: {  	s3 =	sand.u32 $0x4000, s31;
	s1 =	sadd.s32 s1, s30  }
0xc0: {  	s0 =	sor.u32 s3, s0;
	s1 =	sshll.u32 s1, $0x11  }
0xc1: {  	s0 =	sor.u32 s1, s0  }
0xc2: {  	s0 =	sadd.s32 $0x8F2B, s0  }
0xc3: {  	[sflag:s0] =	ssyncadd.remote.s32 $0x1  }
0xc4: {  	_ =	sfence.sel $0xFFFF  }
0xc5: {  	[dreg:$0x0] =	wrdreg $0xFFFFFFFF;
	(pc) =	sbr.abs _section_cstart, $3  }
0xc6: {  	[dreg:$0x1] =	wrdreg $0xFFFFFFFF  }
0xc7: {  	_ =	task.clear_ibuf [dreg:s7], $0x2FFFF;
	_ =	strace $0x9FFFFFFF  }
0xc8: {  	(tm) =	ssettm $0x7FFFFFFF  }
0xc9: {  	_ =	shalt  }
tec
execute0_lowered:
.L_overlay_start_1:
0x0: {  	(tag) =	ssettag $0x1  }
0x1: {  	s0 =	srdreg.scid  }
0x2: {  	s4 =	sand.u32 $0x1, s0  }
0x3: {  	s3 =	ssub.s32 $0x2, s4  }
0x4: {  	s5 =	sshrl.u32 s3, $0x1  }
0x5: {  	s5 =	ssub.s32 s3, s5  }
0x6: {  	s5 =	smax.u32 s5, $0x1  }
0x7: {  	s9 =	sadd.s32 $0xFFFFFFFF, s5  }
0x8: {  	p2 =	sne.s32 s9, $0x0  }
.Ltmp0:
0x9: {  	s1 =	rddreg [dreg:$0x1];
	(pc) =	sbr.rel @!p2 .LBB2_3-.Ltmp0, $4  }
0xa: {  	s2 =	rddreg [dreg:$0x0];
	s3 =	sadd.s32 $0x1FE00, s1;
	s1 =	stileid.u32  }
0xb: {  	p1 =	por $0x0, $0x0;
	s4 =	ssub.s32 $0x0, s4;
	s6 =	sshll.u32 s1, $0x1  }
0xc: {  	s0 =	rddreg [dreg:$0x2];
	_ =	strace $0x80000047;
	p0 =	sne.s32 s6, s4  }
0xd: {  	s4 =	simm.s32 $0x0;
	s6 =	simm.s32 $0x100;
	s5 =	simm.s32 $0x1  }
0xe: {  	s7 =	simm.s32 @!p0 $0x0;
	s8 =	simm.s32 @!p0 $0x1  }
0xf: {  	[tilespmem:s7], [sflag:$0x1] =	stream.linear.gather @!p0 [hbm4b:s2+s7], $0x100, $0x38;
	[tilespmem:$0x140] =	vst v63  }
0x10: {  	_ =	swait.ge @!p0 [sflag:s8], $0x100  }
0x11: {  	[sflag:s8] =	ssyncset.done @!p0 $0x0  }
0x12: {  	s9 =	sadd.s32 $0xFFFFFFFF, s9;
	[sflag:s8] =	ssyncadd.s32 @!p0 $0xFFFFFF00  }
0x13: {  	[tilespmem:s6], [sflag:$0x1] =	stream.linear.gather [hbm4b:s3+s4], $0x40, $0x38;
	[tilespmem:$0x140] =	vst v63  }
0x14: {  	p2 =	sne.s32 s9, $0x0;
	_ =	swait.ge [sflag:s5], $0x40  }
.Ltmp1:
0x15: {  	[sflag:s5] =	ssyncset.done $0x0;
	(pc) =	sbr.rel @!p2 .LBB2_3-.Ltmp1, $4  }
0x16: {  	[sflag:s5] =	ssyncadd.s32 $0xFFFFFFC0  }
0x17: {  	[tilespmem:s6], [sflag:$0x1] =	stream.linear.gather [hbm4b:s3+s4], $0x40, $0x38;
	[tilespmem:$0x140] =	vst v63  }
0x18: {  	_ =	swait.ge [sflag:s5], $0x40  }
0x19: {  	p1 =	por $0x1, $0x1;
	[sflag:s5] =	ssyncset.done $0x0  }
.LBB2_2:
0x1a: {  	[sflag:s5] =	ssyncadd.s32 $0xFFFFFFC0  }
0x1b: {  	[tilespmem:s7], [sflag:$0x1] =	stream.linear.gather @!p0 [hbm4b:s2+s7], $0x100, $0x38;
	[tilespmem:$0x140] =	vst v63  }
0x1c: {  	s9 =	sadd.s32 $0xFFFFFFFF, s9;
	_ =	swait.ge @!p0 [sflag:s8], $0x100  }
0x1d: {  	p2 =	sne.s32 s9, $0x0;
	[sflag:s8] =	ssyncset.done @!p0 $0x0  }
0x1e: {  	[sflag:s8] =	ssyncadd.s32 @!p0 $0xFFFFFF00  }
0x1f: {  	[tilespmem:s6], [sflag:$0x1] =	stream.linear.gather [hbm4b:s3+s4], $0x40, $0x38;
	[tilespmem:$0x140] =	vst v63  }
0x20: {  	_ =	swait.ge [sflag:s5], $0x40  }
.Ltmp2:
0x21: {  	[sflag:s5] =	ssyncset.done $0x0;
	(pc) =	sbr.rel @p2 .LBB2_2-.Ltmp2, $4  }
0x22: {  	[sflag:s5] =	ssyncadd.s32 $0xFFFFFFC0  }
0x23: {  	[tilespmem:s6], [sflag:$0x1] =	stream.linear.gather [hbm4b:s3+s4], $0x40, $0x38;
	[tilespmem:$0x140] =	vst v63  }
0x24: {  	_ =	swait.ge [sflag:s5], $0x40  }
0x25: {  	[sflag:s5] =	ssyncset.done $0x0  }
.LBB2_3:
0x26: {  	s7 =	simm.s32 @!p0 $0x0;
	s8 =	simm.s32 @!p0 $0x1;
	[sflag:s5] =	ssyncadd.s32 @p1 $0xFFFFFFC0  }
0x27: {  	[tilespmem:s7], [sflag:$0x1] =	stream.linear.gather @!p0 [hbm4b:s2+s7], $0x100, $0x38;
	[tilespmem:$0x140] =	vst v63  }
0x28: {  	_ =	swait.ge @!p0 [sflag:s8], $0x100  }
0x29: {  	[sflag:s8] =	ssyncset.done @!p0 $0x0  }
0x2a: {  	[sflag:s8] =	ssyncadd.s32 @!p0 $0xFFFFFF00  }
0x2b: {  	[tilespmem:s6], [sflag:$0x1] =	stream.linear.gather [hbm4b:s3+s4], $0x40, $0x38;
	[tilespmem:$0x140] =	vst v63  }
0x2c: {  	_ =	swait.ge [sflag:s5], $0x40  }
0x2d: {  	[sflag:s5] =	ssyncset.done $0x0  }
0x2e: {  	[sflag:s5] =	ssyncadd.s32 $0xFFFFFFC0  }
0x2f: {  	[tilespmem:s6], [sflag:$0x1] =	stream.linear.gather [hbm4b:s3+s4], $0x40, $0x38;
	[tilespmem:$0x140] =	vst v63  }
0x30: {  	_ =	swait.ge [sflag:s5], $0x40  }
0x31: {  	[sflag:s5] =	ssyncset.done $0x0  }
0x32: {  	[sflag:s5] =	ssyncadd.s32 $0xFFFFFFC0  }
0x33: {  	_ =	sfence.sel $0x180000  }
0x34: {  	[bflag:$0x0] =	sbarrier.arrive $0xFFFF  }
0x35: {  	p0 =	sne.s32 s1, $0x0;
	_ =	strace $0x90000047  }
0x36: {  	s0 =	sadd.s32 @!p0 $0x100000, s0;
	[bflag:$0x2] =	sbarrier.arrive $0xFFFF  }
0x37: {  	[sflag:s0] =	ssyncadd.tile.s32 @!p0 $0x1;
	_ =	shalt  }
.Lfunc_end2:
_tile_overlayer_lowered:
.L_overlay_start_2:
0x38: {  	(tag) =	ssettag $0x2  }
0x39: {  	s0 =	rddreg [dreg:$0x0];
	s2 =	stileid.u32  }
0x3a: {  	s1 =	rddreg [dreg:$0x1];
	p0 =	sne.s32 s2, $0x0  }
0x3b: {  	s3 =	rddreg [dreg:$0x2];
	[bflag:$0x3] =	sbarrier.arrive $0xFFFF;
	s2 =	simm.s32 @!p0 $0x1C01  }
0x3c: {  	[timem:s3], [sflag:s2] =	dma.local @!p0 [hbm:s0], s1  }
0x3d: {  	s0 =	simm.s32 @!p0 $0x1  }
0x3e: {  	_ =	swait.ge @!p0 [sflag:s0], s1  }
0x3f: {  	s1 =	ssub.s32 @!p0 $0x0, s1;
	[sflag:s0] =	ssyncset.done @!p0 $0x0  }
0x40: {  	[sflag:s0] =	ssyncadd.s32 @!p0 s1  }
0x41: {  	[bflag:$0x3] =	sbarrier.arrive $0xFFFF  }
0x42: {  	_ =	shalt  }

</sc_bundles>
